<compile_context>
chip_gen: v7x
topology: tpu7x:2x2x1
jax: 0.10.2.dev20260603
libtpu: 0.0.44.dev20260713+nightly
codegen_flags: <defaults>
</compile_context>

<pallas_src>
import functools

import jax
import jax.numpy as jnp
from jax import lax
from jax.experimental import pallas as pl
from jax.experimental.pallas import tpu as pltpu
from jax.experimental.pallas import tpu_sc as plsc

_B = 16
_N = 16384
_K = 2048
_L = 16
_STEPS = _N // _L


def _fps_sc(pts_hbm, out_hbm, px_v, py_v, pz_v, dist_v, stage_v, sem):
    wid = lax.axis_index("s") * 2 + lax.axis_index("c")

    @pl.when(wid < _B)
    def _run():
        pltpu.sync_copy(pts_hbm.at[0, wid], px_v.at[pl.ds(0, _N)])
        pltpu.sync_copy(pts_hbm.at[1, wid], py_v.at[pl.ds(0, _N)])
        pltpu.sync_copy(pts_hbm.at[2, wid], pz_v.at[pl.ds(0, _N)])

        inf16 = jnp.full((_L,), jnp.inf, jnp.float32)

        def init_body(s, _):
            dist_v[pl.ds(s * _L, _L)] = inf16
            return 0

        lax.fori_loop(0, _STEPS, init_body, 0)

        iota16 = lax.iota(jnp.int32, _L)
        cx0 = px_v[pl.ds(0, _L)][0]
        cy0 = py_v[pl.ds(0, _L)][0]
        cz0 = pz_v[pl.ds(0, _L)][0]

        def body(i, carry):
            cx, cy, cz, stage = carry

            def step(s, sc):
                m16, idx16 = sc
                sl = pl.ds(s * _L, _L)
                dx = px_v[sl] - cx
                dy = py_v[sl] - cy
                dz = pz_v[sl] - cz
                d = dx * dx + dy * dy + dz * dz
                dist = jnp.minimum(dist_v[sl], d)
                dist_v[sl] = dist
                upd = dist > m16
                m16 = jnp.where(upd, dist, m16)
                idx16 = jnp.where(upd, iota16 + s * _L, idx16)
                return (m16, idx16)

            neg16 = jnp.full((_L,), -jnp.inf, jnp.float32)
            m16, idx16 = lax.fori_loop(
                0, _STEPS, step, (neg16, jnp.zeros((_L,), jnp.int32)))
            m = jnp.max(m16)
            cand = jnp.where(m16 == m, idx16, jnp.int32(_N))
            bidx = jnp.min(cand)
            bidx16 = jnp.full((_L,), bidx, jnp.int32)
            base = pl.multiple_of((bidx // _L) * _L, _L)
            sel = iota16 == bidx - base
            ncx = jnp.min(jnp.where(sel, px_v[pl.ds(base, _L)], inf16))
            ncy = jnp.min(jnp.where(sel, py_v[pl.ds(base, _L)], inf16))
            ncz = jnp.min(jnp.where(sel, pz_v[pl.ds(base, _L)], inf16))
            c = i + 1
            slot = lax.rem(c, _L)
            stage = jnp.where(iota16 == slot, bidx16, stage)

            @pl.when(slot == _L - 1)
            def _flush():
                stage_v[...] = stage
                obase = pl.multiple_of((c // _L) * _L, _L)
                pltpu.async_copy(
                    stage_v, out_hbm.at[wid, pl.ds(obase, _L)],
                    sem).wait()

            return (ncx, ncy, ncz, stage)

        lax.fori_loop(0, _K - 1, body,
                      (cx0, cy0, cz0, jnp.zeros((_L,), jnp.int32)))


def kernel(points):
    b, _, n = points.shape
    pts = jnp.transpose(points, (1, 0, 2))
    mesh = plsc.VectorSubcoreMesh(core_axis_name="c", subcore_axis_name="s")
    run = functools.partial(
        pl.kernel,
        mesh=mesh,
        compiler_params=pltpu.CompilerParams(needs_layout_passes=False),
        out_type=jax.ShapeDtypeStruct((b, _K), jnp.int32),
        scratch_types=[
            pltpu.VMEM((n + _L,), jnp.float32),
            pltpu.VMEM((n + _L,), jnp.float32),
            pltpu.VMEM((n + _L,), jnp.float32),
            pltpu.VMEM((n,), jnp.float32),
            pltpu.VMEM((_L,), jnp.int32),
            pltpu.SemaphoreType.DMA,
        ],
    )(_fps_sc)
    return run(pts)

# --- scband reference (transcript-rebuilt; emitter-appended) ---
"""Pipeline reference for scband-farthest-point-sampler-1717986918813 (READ-ONLY COPY).

The authoritative reference and input builder live on the scoring server;
editing this copy changes nothing except your own understanding.
"""

import jax, jax.numpy as jnp
import numpy as np

NUM_CENTROIDS = 2048


def setup_inputs(seed: int = 0) -> dict:
    key = jax.random.key(seed)
    points = jax.random.normal(key, (16, 3, 16384), dtype=jnp.float32)
    return {"points": points}


def _farthest_point_sample(points, num_centroids):
    # points: [B, 3, N] (channels-first, as in the original CUDA op)
    pts = jnp.transpose(points, (0, 2, 1))  # [B, N, 3]
    B, N, _ = pts.shape
    batch_idx = jnp.arange(B)

    idx0 = jnp.zeros((B, num_centroids), dtype=jnp.int32)  # first centroid = point 0 (matches CUDA kernel)
    dist0 = jnp.full((B, N), jnp.inf, dtype=pts.dtype)

    def body(i, carry):
        dist, idx = carry
        cur = idx[batch_idx, i]                      # [B] current centroid index
        centroid = pts[batch_idx, cur]               # [B, 3] gather
        d = jnp.sum((pts - centroid[:, None, :]) ** 2, axis=-1)  # [B, N]
        dist = jnp.minimum(dist, d)                  # running min-distance to chosen set
        nxt = jnp.argmax(dist, axis=-1).astype(jnp.int32)        # farthest point
        idx = idx.at[:, i + 1].set(nxt)
        return (dist, idx)

    _, idx = jax.lax.fori_loop(0, num_centroids - 1, body, (dist0, idx0))
    return idx  # int32 [B, num_centroids]


def reference(points):
    return _farthest_point_sample(points, NUM_CENTROIDS)

if __name__ == "__main__":
    import jax
    _d = setup_inputs()
    print(jax.jit(kernel)(*tuple(_d.values())))

</pallas_src>

<mosaic_0001>
#map = affine_map<(d0, d1) -> (0, 0, 0)>
#map1 = affine_map<(d0, d1) -> (0, 0)>
module attributes {stable_mosaic.version = 14 : i64} {
  func.func @_fps_sc(%arg0: i32, %arg1: i32, %arg2: memref<3x16x16384xf32, #tpu.memory_space<hbm>>, %arg3: memref<16x2048xi32, #tpu.memory_space<hbm>>, %arg4: memref<16400xf32, #tpu.memory_space<vmem>>, %arg5: memref<16400xf32, #tpu.memory_space<vmem>>, %arg6: memref<16400xf32, #tpu.memory_space<vmem>>, %arg7: memref<16384xf32, #tpu.memory_space<vmem>>, %arg8: memref<16xi32, #tpu.memory_space<vmem>>, %arg9: memref<!tpu.dma_semaphore, #tpu.memory_space<semaphore_mem>>) attributes {dimension_semantics = [#tpu.dimension_semantics<core_parallel>, #tpu.dimension_semantics<subcore_parallel>], iteration_bounds = array<i64: 2, 16>, scalar_prefetch = 0 : i64, scratch_operands = 6 : i64, tpu.core_type = #tpu.core_type<sc_vector_subcore>, window_params = [{transform_indices = #map}, {transform_indices = #map1}]} {
    %mul3A = arith.constant 2 : i32
    %mul3A_0 = arith.muli %arg1, %mul3A : i32
    %add3A = arith.addi %mul3A_0, %arg0 : i32
    %lt3A = arith.constant 16 : i32
    %lt3A_1 = arith.cmpi slt, %add3A, %lt3A : i32
    %convert_element_type3A = arith.extui %lt3A_1 : i1 to i32
    %cond3A = arith.constant 0 : i32
    %cond3A_2 = arith.cmpi ne, %convert_element_type3A, %cond3A : i32
    scf.if %cond3A_2 {
      %run_scoped3A = arith.constant 0 : i32
      "tpu.region"() ({
        %run_scoped3A_29 = tpu.sem_alloc : memref<!tpu.dma_semaphore, #tpu.memory_space<semaphore_mem>>
        %dma_start3A = arith.constant 0 : i32
        %dma_start3A_30 = tpu.memref_slice %arg4[%dma_start3A] : memref<16400xf32, #tpu.memory_space<vmem>> -> memref<16384xf32, #tpu.memory_space<vmem>>
        %dma_start3A_31 = arith.constant 0 : i32
        %dma_start3A_32 = tpu.memref_slice %arg2[%run_scoped3A, %add3A, %dma_start3A_31] : memref<3x16x16384xf32, #tpu.memory_space<hbm>> -> memref<1x1x16384xf32, #tpu.memory_space<hbm>>
        %dma_start3A_33 = tpu.memref_squeeze %dma_start3A_32 : memref<1x1x16384xf32, #tpu.memory_space<hbm>> -> memref<16384xf32, #tpu.memory_space<hbm>>
        %dma_start3A_34 = arith.constant 0 : i32
        %dma_start3A_35 = tpu.memref_slice %arg4[%dma_start3A_34] : memref<16400xf32, #tpu.memory_space<vmem>> -> memref<16384xf32, #tpu.memory_space<vmem>>
        %dma_start3A_36 = arith.constant 0 : i32
        %dma_start3A_37 = tpu.memref_slice %arg2[%run_scoped3A, %add3A, %dma_start3A_36] : memref<3x16x16384xf32, #tpu.memory_space<hbm>> -> memref<1x1x16384xf32, #tpu.memory_space<hbm>>
        %dma_start3A_38 = tpu.memref_squeeze %dma_start3A_37 : memref<1x1x16384xf32, #tpu.memory_space<hbm>> -> memref<16384xf32, #tpu.memory_space<hbm>>
        tpu.enqueue_dma source(%dma_start3A_38 : memref<16384xf32, #tpu.memory_space<hbm>>) target(%dma_start3A_35 : memref<16384xf32, #tpu.memory_space<vmem>>) target_semaphore(%run_scoped3A_29 : memref<!tpu.dma_semaphore, #tpu.memory_space<semaphore_mem>>)
        %dma_wait3A = arith.constant 0 : i32
        %dma_wait3A_39 = tpu.memref_slice %arg4[%dma_wait3A] : memref<16400xf32, #tpu.memory_space<vmem>> -> memref<16384xf32, #tpu.memory_space<vmem>>
        %dma_wait3A_40 = arith.constant 0 : i32
        %dma_wait3A_41 = tpu.memref_slice %arg2[%run_scoped3A, %add3A, %dma_wait3A_40] : memref<3x16x16384xf32, #tpu.memory_space<hbm>> -> memref<1x1x16384xf32, #tpu.memory_space<hbm>>
        %dma_wait3A_42 = tpu.memref_squeeze %dma_wait3A_41 : memref<1x1x16384xf32, #tpu.memory_space<hbm>> -> memref<16384xf32, #tpu.memory_space<hbm>>
        %dma_wait3A_43 = arith.constant 0 : i32
        %dma_wait3A_44 = tpu.memref_slice %arg4[%dma_wait3A_43] : memref<16400xf32, #tpu.memory_space<vmem>> -> memref<16384xf32, #tpu.memory_space<vmem>>
        %dma_wait3A_45 = arith.constant 0 : i32
        %dma_wait3A_46 = tpu.memref_slice %arg2[%run_scoped3A, %add3A, %dma_wait3A_45] : memref<3x16x16384xf32, #tpu.memory_space<hbm>> -> memref<1x1x16384xf32, #tpu.memory_space<hbm>>
        %dma_wait3A_47 = tpu.memref_squeeze %dma_wait3A_46 : memref<1x1x16384xf32, #tpu.memory_space<hbm>> -> memref<16384xf32, #tpu.memory_space<hbm>>
        tpu.wait_dma2 semaphore(%run_scoped3A_29 : memref<!tpu.dma_semaphore, #tpu.memory_space<semaphore_mem>>) src(%dma_wait3A_47 : memref<16384xf32, #tpu.memory_space<hbm>>) dst(%dma_wait3A_44 : memref<16384xf32, #tpu.memory_space<vmem>>)
        tpu.yield
      }) : () -> ()
      %run_scoped3A_3 = arith.constant 1 : i32
      "tpu.region"() ({
        %run_scoped3A_29 = tpu.sem_alloc : memref<!tpu.dma_semaphore, #tpu.memory_space<semaphore_mem>>
        %dma_start3A = arith.constant 0 : i32
        %dma_start3A_30 = tpu.memref_slice %arg5[%dma_start3A] : memref<16400xf32, #tpu.memory_space<vmem>> -> memref<16384xf32, #tpu.memory_space<vmem>>
        %dma_start3A_31 = arith.constant 0 : i32
        %dma_start3A_32 = tpu.memref_slice %arg2[%run_scoped3A_3, %add3A, %dma_start3A_31] : memref<3x16x16384xf32, #tpu.memory_space<hbm>> -> memref<1x1x16384xf32, #tpu.memory_space<hbm>>
        %dma_start3A_33 = tpu.memref_squeeze %dma_start3A_32 : memref<1x1x16384xf32, #tpu.memory_space<hbm>> -> memref<16384xf32, #tpu.memory_space<hbm>>
        %dma_start3A_34 = arith.constant 0 : i32
        %dma_start3A_35 = tpu.memref_slice %arg5[%dma_start3A_34] : memref<16400xf32, #tpu.memory_space<vmem>> -> memref<16384xf32, #tpu.memory_space<vmem>>
        %dma_start3A_36 = arith.constant 0 : i32
        %dma_start3A_37 = tpu.memref_slice %arg2[%run_scoped3A_3, %add3A, %dma_start3A_36] : memref<3x16x16384xf32, #tpu.memory_space<hbm>> -> memref<1x1x16384xf32, #tpu.memory_space<hbm>>
        %dma_start3A_38 = tpu.memref_squeeze %dma_start3A_37 : memref<1x1x16384xf32, #tpu.memory_space<hbm>> -> memref<16384xf32, #tpu.memory_space<hbm>>
        tpu.enqueue_dma source(%dma_start3A_38 : memref<16384xf32, #tpu.memory_space<hbm>>) target(%dma_start3A_35 : memref<16384xf32, #tpu.memory_space<vmem>>) target_semaphore(%run_scoped3A_29 : memref<!tpu.dma_semaphore, #tpu.memory_space<semaphore_mem>>)
        %dma_wait3A = arith.constant 0 : i32
        %dma_wait3A_39 = tpu.memref_slice %arg5[%dma_wait3A] : memref<16400xf32, #tpu.memory_space<vmem>> -> memref<16384xf32, #tpu.memory_space<vmem>>
        %dma_wait3A_40 = arith.constant 0 : i32
        %dma_wait3A_41 = tpu.memref_slice %arg2[%run_scoped3A_3, %add3A, %dma_wait3A_40] : memref<3x16x16384xf32, #tpu.memory_space<hbm>> -> memref<1x1x16384xf32, #tpu.memory_space<hbm>>
        %dma_wait3A_42 = tpu.memref_squeeze %dma_wait3A_41 : memref<1x1x16384xf32, #tpu.memory_space<hbm>> -> memref<16384xf32, #tpu.memory_space<hbm>>
        %dma_wait3A_43 = arith.constant 0 : i32
        %dma_wait3A_44 = tpu.memref_slice %arg5[%dma_wait3A_43] : memref<16400xf32, #tpu.memory_space<vmem>> -> memref<16384xf32, #tpu.memory_space<vmem>>
        %dma_wait3A_45 = arith.constant 0 : i32
        %dma_wait3A_46 = tpu.memref_slice %arg2[%run_scoped3A_3, %add3A, %dma_wait3A_45] : memref<3x16x16384xf32, #tpu.memory_space<hbm>> -> memref<1x1x16384xf32, #tpu.memory_space<hbm>>
        %dma_wait3A_47 = tpu.memref_squeeze %dma_wait3A_46 : memref<1x1x16384xf32, #tpu.memory_space<hbm>> -> memref<16384xf32, #tpu.memory_space<hbm>>
        tpu.wait_dma2 semaphore(%run_scoped3A_29 : memref<!tpu.dma_semaphore, #tpu.memory_space<semaphore_mem>>) src(%dma_wait3A_47 : memref<16384xf32, #tpu.memory_space<hbm>>) dst(%dma_wait3A_44 : memref<16384xf32, #tpu.memory_space<vmem>>)
        tpu.yield
      }) : () -> ()
      %run_scoped3A_4 = arith.constant 2 : i32
      "tpu.region"() ({
        %run_scoped3A_29 = tpu.sem_alloc : memref<!tpu.dma_semaphore, #tpu.memory_space<semaphore_mem>>
        %dma_start3A = arith.constant 0 : i32
        %dma_start3A_30 = tpu.memref_slice %arg6[%dma_start3A] : memref<16400xf32, #tpu.memory_space<vmem>> -> memref<16384xf32, #tpu.memory_space<vmem>>
        %dma_start3A_31 = arith.constant 0 : i32
        %dma_start3A_32 = tpu.memref_slice %arg2[%run_scoped3A_4, %add3A, %dma_start3A_31] : memref<3x16x16384xf32, #tpu.memory_space<hbm>> -> memref<1x1x16384xf32, #tpu.memory_space<hbm>>
        %dma_start3A_33 = tpu.memref_squeeze %dma_start3A_32 : memref<1x1x16384xf32, #tpu.memory_space<hbm>> -> memref<16384xf32, #tpu.memory_space<hbm>>
        %dma_start3A_34 = arith.constant 0 : i32
        %dma_start3A_35 = tpu.memref_slice %arg6[%dma_start3A_34] : memref<16400xf32, #tpu.memory_space<vmem>> -> memref<16384xf32, #tpu.memory_space<vmem>>
        %dma_start3A_36 = arith.constant 0 : i32
        %dma_start3A_37 = tpu.memref_slice %arg2[%run_scoped3A_4, %add3A, %dma_start3A_36] : memref<3x16x16384xf32, #tpu.memory_space<hbm>> -> memref<1x1x16384xf32, #tpu.memory_space<hbm>>
        %dma_start3A_38 = tpu.memref_squeeze %dma_start3A_37 : memref<1x1x16384xf32, #tpu.memory_space<hbm>> -> memref<16384xf32, #tpu.memory_space<hbm>>
        tpu.enqueue_dma source(%dma_start3A_38 : memref<16384xf32, #tpu.memory_space<hbm>>) target(%dma_start3A_35 : memref<16384xf32, #tpu.memory_space<vmem>>) target_semaphore(%run_scoped3A_29 : memref<!tpu.dma_semaphore, #tpu.memory_space<semaphore_mem>>)
        %dma_wait3A = arith.constant 0 : i32
        %dma_wait3A_39 = tpu.memref_slice %arg6[%dma_wait3A] : memref<16400xf32, #tpu.memory_space<vmem>> -> memref<16384xf32, #tpu.memory_space<vmem>>
        %dma_wait3A_40 = arith.constant 0 : i32
        %dma_wait3A_41 = tpu.memref_slice %arg2[%run_scoped3A_4, %add3A, %dma_wait3A_40] : memref<3x16x16384xf32, #tpu.memory_space<hbm>> -> memref<1x1x16384xf32, #tpu.memory_space<hbm>>
        %dma_wait3A_42 = tpu.memref_squeeze %dma_wait3A_41 : memref<1x1x16384xf32, #tpu.memory_space<hbm>> -> memref<16384xf32, #tpu.memory_space<hbm>>
        %dma_wait3A_43 = arith.constant 0 : i32
        %dma_wait3A_44 = tpu.memref_slice %arg6[%dma_wait3A_43] : memref<16400xf32, #tpu.memory_space<vmem>> -> memref<16384xf32, #tpu.memory_space<vmem>>
        %dma_wait3A_45 = arith.constant 0 : i32
        %dma_wait3A_46 = tpu.memref_slice %arg2[%run_scoped3A_4, %add3A, %dma_wait3A_45] : memref<3x16x16384xf32, #tpu.memory_space<hbm>> -> memref<1x1x16384xf32, #tpu.memory_space<hbm>>
        %dma_wait3A_47 = tpu.memref_squeeze %dma_wait3A_46 : memref<1x1x16384xf32, #tpu.memory_space<hbm>> -> memref<16384xf32, #tpu.memory_space<hbm>>
        tpu.wait_dma2 semaphore(%run_scoped3A_29 : memref<!tpu.dma_semaphore, #tpu.memory_space<semaphore_mem>>) src(%dma_wait3A_47 : memref<16384xf32, #tpu.memory_space<hbm>>) dst(%dma_wait3A_44 : memref<16384xf32, #tpu.memory_space<vmem>>)
        tpu.yield
      }) : () -> ()
      %broadcast_in_dim3A = arith.constant 0x7F800000 : f32
      %broadcast_in_dim3A_5 = vector.broadcast %broadcast_in_dim3A : f32 to vector<16xf32>
      %scan3A = arith.constant 0 : i32
      %scan3A_6 = arith.constant 0 : i32
      %scan3A_7 = arith.constant 1024 : i32
      %scan3A_8 = arith.addi %scan3A_6, %scan3A_7 : i32
      %scan3A_9 = arith.constant 1 : i32
      %scan3A_10 = scf.for %scan3A_29 = %scan3A_6 to %scan3A_8 step %scan3A_9 iter_args(%scan3A_30 = %scan3A) -> (i32)  : i32 {
        %mul3A_31 = arith.constant 16 : i32
        %mul3A_32 = arith.muli %scan3A_29, %mul3A_31 : i32
        %swap3A = arith.index_cast %mul3A_32 : i32 to index
        %swap3A_33 = tpu.vector_load %arg7[%swap3A] {strides = array<i32>} : memref<16384xf32, #tpu.memory_space<vmem>>, vector<16xf32>,
        tpu.vector_store %arg7[%swap3A], %broadcast_in_dim3A_5 {strides = array<i32>} : memref<16384xf32, #tpu.memory_space<vmem>>, vector<16xf32>,
        %scan3A_34 = arith.constant 0 : i32
        scf.yield %scan3A_34 : i32
      }
      %scan3A_11 = arith.constant 1024 : i32
      %iota3A = tpu.iota {dimensions = array<i32: 0>} : vector<16xi32>
      %get3A = arith.constant 0 : index
      %get3A_12 = tpu.vector_load %arg4[%get3A] {strides = array<i32>} : memref<16400xf32, #tpu.memory_space<vmem>>, vector<16xf32>,
      %slice3A = vector.extract_strided_slice %get3A_12 {offsets = [0], sizes = [1], strides = [1]} : vector<16xf32> to vector<1xf32>
      %squeeze3A = vector.extract %slice3A[0] : f32 from vector<1xf32>
      %get3A_13 = arith.constant 0 : index
      %get3A_14 = tpu.vector_load %arg5[%get3A_13] {strides = array<i32>} : memref<16400xf32, #tpu.memory_space<vmem>>, vector<16xf32>,
      %slice3A_15 = vector.extract_strided_slice %get3A_14 {offsets = [0], sizes = [1], strides = [1]} : vector<16xf32> to vector<1xf32>
      %squeeze3A_16 = vector.extract %slice3A_15[0] : f32 from vector<1xf32>
      %get3A_17 = arith.constant 0 : index
      %get3A_18 = tpu.vector_load %arg6[%get3A_17] {strides = array<i32>} : memref<16400xf32, #tpu.memory_space<vmem>>, vector<16xf32>,
      %slice3A_19 = vector.extract_strided_slice %get3A_18 {offsets = [0], sizes = [1], strides = [1]} : vector<16xf32> to vector<1xf32>
      %squeeze3A_20 = vector.extract %slice3A_19[0] : f32 from vector<1xf32>
      %broadcast_in_dim3A_21 = arith.constant 0 : i32
      %broadcast_in_dim3A_22 = vector.broadcast %broadcast_in_dim3A_21 : i32 to vector<16xi32>
      %scan3A_23 = arith.constant 0 : i32
      %scan3A_24 = arith.constant 2047 : i32
      %scan3A_25 = arith.addi %scan3A_23, %scan3A_24 : i32
      %scan3A_26 = arith.constant 1 : i32
      %scan3A_27:4 = scf.for %scan3A_29 = %scan3A_23 to %scan3A_25 step %scan3A_26 iter_args(%scan3A_30 = %squeeze3A, %scan3A_31 = %squeeze3A_16, %scan3A_32 = %squeeze3A_20, %scan3A_33 = %broadcast_in_dim3A_22) -> (f32, f32, f32, vector<16xi32>)  : i32 {
        %broadcast_in_dim3A_34 = arith.constant 0xFF800000 : f32
        %broadcast_in_dim3A_35 = vector.broadcast %broadcast_in_dim3A_34 : f32 to vector<16xf32>
        %broadcast_in_dim3A_36 = arith.constant 0 : i32
        %broadcast_in_dim3A_37 = vector.broadcast %broadcast_in_dim3A_36 : i32 to vector<16xi32>
        %scan3A_38 = arith.constant 0 : i32
        %scan3A_39 = arith.constant 1024 : i32
        %scan3A_40 = arith.addi %scan3A_38, %scan3A_39 : i32
        %scan3A_41 = arith.constant 1 : i32
        %scan3A_42:2 = scf.for %scan3A_113 = %scan3A_38 to %scan3A_40 step %scan3A_41 iter_args(%scan3A_114 = %broadcast_in_dim3A_35, %scan3A_115 = %broadcast_in_dim3A_37) -> (vector<16xf32>, vector<16xi32>)  : i32 {
          %mul3A_116 = arith.constant 16 : i32
          %mul3A_117 = arith.muli %scan3A_113, %mul3A_116 : i32
          %get3A_118 = arith.index_cast %mul3A_117 : i32 to index
          %get3A_119 = tpu.vector_load %arg4[%get3A_118] {strides = array<i32>} : memref<16400xf32, #tpu.memory_space<vmem>>, vector<16xf32>,
          %sub3A_120 = vector.broadcast %scan3A_30 : f32 to vector<16xf32>
          %sub3A_121 = arith.subf %get3A_119, %sub3A_120 : vector<16xf32>
          %get3A_122 = arith.index_cast %mul3A_117 : i32 to index
          %get3A_123 = tpu.vector_load %arg5[%get3A_122] {strides = array<i32>} : memref<16400xf32, #tpu.memory_space<vmem>>, vector<16xf32>,
          %sub3A_124 = vector.broadcast %scan3A_31 : f32 to vector<16xf32>
          %sub3A_125 = arith.subf %get3A_123, %sub3A_124 : vector<16xf32>
          %get3A_126 = arith.index_cast %mul3A_117 : i32 to index
          %get3A_127 = tpu.vector_load %arg6[%get3A_126] {strides = array<i32>} : memref<16400xf32, #tpu.memory_space<vmem>>, vector<16xf32>,
          %sub3A_128 = vector.broadcast %scan3A_32 : f32 to vector<16xf32>
          %sub3A_129 = arith.subf %get3A_127, %sub3A_128 : vector<16xf32>
          %mul3A_130 = arith.mulf %sub3A_121, %sub3A_121 : vector<16xf32>
          %mul3A_131 = arith.mulf %sub3A_125, %sub3A_125 : vector<16xf32>
          %add3A_132 = arith.addf %mul3A_130, %mul3A_131 : vector<16xf32>
          %mul3A_133 = arith.mulf %sub3A_129, %sub3A_129 : vector<16xf32>
          %add3A_134 = arith.addf %add3A_132, %mul3A_133 : vector<16xf32>
          %get3A_135 = arith.index_cast %mul3A_117 : i32 to index
          %get3A_136 = tpu.vector_load %arg7[%get3A_135] {strides = array<i32>} : memref<16384xf32, #tpu.memory_space<vmem>>, vector<16xf32>,
          %min3A = arith.minimumf %get3A_136, %add3A_134 : vector<16xf32>
          %swap3A = arith.index_cast %mul3A_117 : i32 to index
          %swap3A_137 = tpu.vector_load %arg7[%swap3A] {strides = array<i32>} : memref<16384xf32, #tpu.memory_space<vmem>>, vector<16xf32>,
          tpu.vector_store %arg7[%swap3A], %min3A {strides = array<i32>} : memref<16384xf32, #tpu.memory_space<vmem>>, vector<16xf32>,
          %gt3A = arith.cmpf ogt, %min3A, %scan3A_114 : vector<16xf32>
          %select_n3A_138 = arith.select %gt3A, %min3A, %scan3A_114 : vector<16xi1>, vector<16xf32>
          %mul3A_139 = arith.constant 16 : i32
          %mul3A_140 = arith.muli %scan3A_113, %mul3A_139 : i32
          %add3A_141 = vector.broadcast %mul3A_140 : i32 to vector<16xi32>
          %add3A_142 = arith.addi %iota3A, %add3A_141 : vector<16xi32>
          %select_n3A_143 = arith.select %gt3A, %add3A_142, %scan3A_115 : vector<16xi1>, vector<16xi32>
          scf.yield %select_n3A_138, %select_n3A_143 : vector<16xf32>, vector<16xi32>
        }
        %scan3A_43 = arith.constant 1024 : i32
        %reduce_max3A = arith.constant true
        %reduce_max3A_44 = vector.broadcast %reduce_max3A : i1 to vector<16xi1>
        %reduce_max3A_45 = tpu.scan <max>, %scan3A_42#0 masked %reduce_max3A_44 : vector<16xf32>, vector<16xi1> -> vector<16xf32>
        %reduce_max3A_46 = vector.extract %reduce_max3A_45[15] : f32 from vector<16xf32>
        %eq3A = vector.broadcast %reduce_max3A_46 : f32 to vector<16xf32>
        %eq3A_47 = arith.cmpf oeq, %scan3A_42#0, %eq3A : vector<16xf32>
        %jit3A = arith.constant 16384 : i32
        %broadcast_in_dim3A_48 = vector.broadcast %jit3A : i32 to vector<16xi32>
        %select_n3A = arith.select %eq3A_47, %scan3A_42#1, %broadcast_in_dim3A_48 : vector<16xi1>, vector<16xi32>
        %reduce_min3A = arith.constant true
        %reduce_min3A_49 = vector.broadcast %reduce_min3A : i1 to vector<16xi1>
        %reduce_min3A_50 = arith.constant -2147483648 : i32
        %reduce_min3A_51 = vector.broadcast %reduce_min3A_50 : i32 to vector<16xi32>
        %reduce_min3A_52 = arith.xori %select_n3A, %reduce_min3A_51 : vector<16xi32>
        %reduce_min3A_53 = tpu.scan <min>, %reduce_min3A_52 masked %reduce_min3A_49 : vector<16xi32>, vector<16xi1> -> vector<16xi32>
        %reduce_min3A_54 = arith.xori %reduce_min3A_53, %reduce_min3A_51 : vector<16xi32>
        %reduce_min3A_55 = vector.extract %reduce_min3A_54[15] : i32 from vector<16xi32>
        %broadcast_in_dim3A_56 = vector.broadcast %reduce_min3A_55 : i32 to vector<16xi32>
        %jit3A_57 = arith.constant 16 : i32
        %div3A = arith.divsi %reduce_min3A_55, %jit3A_57 : i32
        %sign3A = arith.constant 0 : i32
        %sign3A_58 = arith.cmpi sgt, %reduce_min3A_55, %sign3A : i32
        %sign3A_59 = arith.extui %sign3A_58 : i1 to i32
        %sign3A_60 = arith.constant 0 : i32
        %sign3A_61 = arith.cmpi slt, %reduce_min3A_55, %sign3A_60 : i32
        %sign3A_62 = arith.extui %sign3A_61 : i1 to i32
        %sign3A_63 = arith.subi %sign3A_59, %sign3A_62 : i32
        %sign3A_64 = arith.constant 0 : i32
        %sign3A_65 = arith.cmpi sgt, %jit3A_57, %sign3A_64 : i32
        %sign3A_66 = arith.extui %sign3A_65 : i1 to i32
        %sign3A_67 = arith.constant 0 : i32
        %sign3A_68 = arith.cmpi slt, %jit3A_57, %sign3A_67 : i32
        %sign3A_69 = arith.extui %sign3A_68 : i1 to i32
        %sign3A_70 = arith.subi %sign3A_66, %sign3A_69 : i32
        %ne3A = arith.cmpi ne, %sign3A_63, %sign3A_70 : i32
        %rem3A = arith.remsi %reduce_min3A_55, %jit3A_57 : i32
        %ne3A_71 = arith.constant 0 : i32
        %ne3A_72 = arith.cmpi ne, %rem3A, %ne3A_71 : i32
        %and3A = arith.andi %ne3A, %ne3A_72 : i1
        %sub3A = arith.constant 1 : i32
        %sub3A_73 = arith.subi %div3A, %sub3A : i32
        %select_n3A_74 = arith.select %and3A, %sub3A_73, %div3A : i32
        %mul3A_75 = arith.constant 16 : i32
        %mul3A_76 = arith.muli %select_n3A_74, %mul3A_75 : i32
        %multiple_of3A = tpu.assume_multiple %mul3A_76, 16 : i32
        %sub3A_77 = arith.subi %reduce_min3A_55, %multiple_of3A : i32
        %eq3A_78 = vector.broadcast %sub3A_77 : i32 to vector<16xi32>
        %eq3A_79 = arith.cmpi eq, %iota3A, %eq3A_78 : vector<16xi32>
        %get3A_80 = arith.index_cast %multiple_of3A : i32 to index
        %get3A_81 = tpu.vector_load %arg4[%get3A_80] {strides = array<i32>} : memref<16400xf32, #tpu.memory_space<vmem>>, vector<16xf32>,
        %select_n3A_82 = arith.select %eq3A_79, %get3A_81, %broadcast_in_dim3A_5 : vector<16xi1>, vector<16xf32>
        %reduce_min3A_83 = arith.constant true
        %reduce_min3A_84 = vector.broadcast %reduce_min3A_83 : i1 to vector<16xi1>
        %reduce_min3A_85 = tpu.scan <min>, %select_n3A_82 masked %reduce_min3A_84 : vector<16xf32>, vector<16xi1> -> vector<16xf32>
        %reduce_min3A_86 = vector.extract %reduce_min3A_85[15] : f32 from vector<16xf32>
        %get3A_87 = arith.index_cast %multiple_of3A : i32 to index
        %get3A_88 = tpu.vector_load %arg5[%get3A_87] {strides = array<i32>} : memref<16400xf32, #tpu.memory_space<vmem>>, vector<16xf32>,
        %select_n3A_89 = arith.select %eq3A_79, %get3A_88, %broadcast_in_dim3A_5 : vector<16xi1>, vector<16xf32>
        %reduce_min3A_90 = arith.constant true
        %reduce_min3A_91 = vector.broadcast %reduce_min3A_90 : i1 to vector<16xi1>
        %reduce_min3A_92 = tpu.scan <min>, %select_n3A_89 masked %reduce_min3A_91 : vector<16xf32>, vector<16xi1> -> vector<16xf32>
        %reduce_min3A_93 = vector.extract %reduce_min3A_92[15] : f32 from vector<16xf32>
        %get3A_94 = arith.index_cast %multiple_of3A : i32 to index
        %get3A_95 = tpu.vector_load %arg6[%get3A_94] {strides = array<i32>} : memref<16400xf32, #tpu.memory_space<vmem>>, vector<16xf32>,
        %select_n3A_96 = arith.select %eq3A_79, %get3A_95, %broadcast_in_dim3A_5 : vector<16xi1>, vector<16xf32>
        %reduce_min3A_97 = arith.constant true
        %reduce_min3A_98 = vector.broadcast %reduce_min3A_97 : i1 to vector<16xi1>
        %reduce_min3A_99 = tpu.scan <min>, %select_n3A_96 masked %reduce_min3A_98 : vector<16xf32>, vector<16xi1> -> vector<16xf32>
        %reduce_min3A_100 = vector.extract %reduce_min3A_99[15] : f32 from vector<16xf32>
        %add3A_101 = arith.constant 1 : i32
        %add3A_102 = arith.addi %scan3A_29, %add3A_101 : i32
        %rem3A_103 = arith.constant 16 : i32
        %rem3A_104 = arith.remsi %add3A_102, %rem3A_103 : i32
        %eq3A_105 = vector.broadcast %rem3A_104 : i32 to vector<16xi32>
        %eq3A_106 = arith.cmpi eq, %iota3A, %eq3A_105 : vector<16xi32>
        %select_n3A_107 = arith.select %eq3A_106, %broadcast_in_dim3A_56, %scan3A_33 : vector<16xi1>, vector<16xi32>
        %eq3A_108 = arith.constant 15 : i32
        %eq3A_109 = arith.cmpi eq, %rem3A_104, %eq3A_108 : i32
        %convert_element_type3A_110 = arith.extui %eq3A_109 : i1 to i32
        %cond3A_111 = arith.constant 0 : i32
        %cond3A_112 = arith.cmpi ne, %convert_element_type3A_110, %cond3A_111 : i32
        scf.if %cond3A_112 {
          %swap3A = arith.constant 0 : index
          %swap3A_113 = tpu.vector_load %arg8[%swap3A] {strides = array<i32>} : memref<16xi32, #tpu.memory_space<vmem>>, vector<16xi32>,
          tpu.vector_store %arg8[%swap3A], %select_n3A_107 {strides = array<i32>} : memref<16xi32, #tpu.memory_space<vmem>>, vector<16xi32>,
          %jit3A_114 = arith.constant 16 : i32
          %div3A_115 = arith.divsi %add3A_102, %jit3A_114 : i32
          %sign3A_116 = arith.constant 0 : i32
          %sign3A_117 = arith.cmpi sgt, %add3A_102, %sign3A_116 : i32
          %sign3A_118 = arith.extui %sign3A_117 : i1 to i32
          %sign3A_119 = arith.constant 0 : i32
          %sign3A_120 = arith.cmpi slt, %add3A_102, %sign3A_119 : i32
          %sign3A_121 = arith.extui %sign3A_120 : i1 to i32
          %sign3A_122 = arith.subi %sign3A_118, %sign3A_121 : i32
          %sign3A_123 = arith.constant 0 : i32
          %sign3A_124 = arith.cmpi sgt, %jit3A_114, %sign3A_123 : i32
          %sign3A_125 = arith.extui %sign3A_124 : i1 to i32
          %sign3A_126 = arith.constant 0 : i32
          %sign3A_127 = arith.cmpi slt, %jit3A_114, %sign3A_126 : i32
          %sign3A_128 = arith.extui %sign3A_127 : i1 to i32
          %sign3A_129 = arith.subi %sign3A_125, %sign3A_128 : i32
          %ne3A_130 = arith.cmpi ne, %sign3A_122, %sign3A_129 : i32
          %rem3A_131 = arith.remsi %add3A_102, %jit3A_114 : i32
          %ne3A_132 = arith.constant 0 : i32
          %ne3A_133 = arith.cmpi ne, %rem3A_131, %ne3A_132 : i32
          %and3A_134 = arith.andi %ne3A_130, %ne3A_133 : i1
          %sub3A_135 = arith.constant 1 : i32
          %sub3A_136 = arith.subi %div3A_115, %sub3A_135 : i32
          %select_n3A_137 = arith.select %and3A_134, %sub3A_136, %div3A_115 : i32
          %mul3A_138 = arith.constant 16 : i32
          %mul3A_139 = arith.muli %select_n3A_137, %mul3A_138 : i32
          %multiple_of3A_140 = tpu.assume_multiple %mul3A_139, 16 : i32
          %dma_start3A = tpu.memref_slice %arg3[%add3A, %multiple_of3A_140] : memref<16x2048xi32, #tpu.memory_space<hbm>> -> memref<1x16xi32, #tpu.memory_space<hbm>>
          %dma_start3A_141 = tpu.memref_squeeze %dma_start3A : memref<1x16xi32, #tpu.memory_space<hbm>> -> memref<16xi32, #tpu.memory_space<hbm>>
          %dma_start3A_142 = tpu.memref_slice %arg3[%add3A, %multiple_of3A_140] : memref<16x2048xi32, #tpu.memory_space<hbm>> -> memref<1x16xi32, #tpu.memory_space<hbm>>
          %dma_start3A_143 = tpu.memref_squeeze %dma_start3A_142 : memref<1x16xi32, #tpu.memory_space<hbm>> -> memref<16xi32, #tpu.memory_space<hbm>>
          tpu.enqueue_dma source(%arg8 : memref<16xi32, #tpu.memory_space<vmem>>) target(%dma_start3A_143 : memref<16xi32, #tpu.memory_space<hbm>>) target_semaphore(%arg9 : memref<!tpu.dma_semaphore, #tpu.memory_space<semaphore_mem>>)
          %dma_wait3A = tpu.memref_slice %arg3[%add3A, %multiple_of3A_140] : memref<16x2048xi32, #tpu.memory_space<hbm>> -> memref<1x16xi32, #tpu.memory_space<hbm>>
          %dma_wait3A_144 = tpu.memref_squeeze %dma_wait3A : memref<1x16xi32, #tpu.memory_space<hbm>> -> memref<16xi32, #tpu.memory_space<hbm>>
          %dma_wait3A_145 = tpu.memref_slice %arg3[%add3A, %multiple_of3A_140] : memref<16x2048xi32, #tpu.memory_space<hbm>> -> memref<1x16xi32, #tpu.memory_space<hbm>>
          %dma_wait3A_146 = tpu.memref_squeeze %dma_wait3A_145 : memref<1x16xi32, #tpu.memory_space<hbm>> -> memref<16xi32, #tpu.memory_space<hbm>>
          tpu.wait_dma2 semaphore(%arg9 : memref<!tpu.dma_semaphore, #tpu.memory_space<semaphore_mem>>) src(%arg8 : memref<16xi32, #tpu.memory_space<vmem>>) dst(%dma_wait3A_146 : memref<16xi32, #tpu.memory_space<hbm>>)
        } else {
        }
        scf.yield %reduce_min3A_86, %reduce_min3A_93, %reduce_min3A_100, %select_n3A_107 : f32, f32, f32, vector<16xi32>
      }
      %scan3A_28 = arith.constant 2047 : i32
    } else {
    }
    return
  }
}

</mosaic_0001>

<sc_bundles>
// kernel: kernel.3.cloned.1.call-start
scs
__scs_entry_jumppad:
0x0: {  	(pc) =	sbr.rel $0x88, $3  }
0x1: {  	(tag) =	ssettag $0x0;
	lr =	simm.s32 $0x1  }
0x2: {  	[smem:$0x3FA0] =	sst lr;
	_ =	strace $0xD0000000  }
0x3: {  	_ = 	snop  }
0x4: {  	_ = 	snop  }
0x5: {  	_ = 	snop  }
0x6: {  	_ = 	snop  }
0x7: {  	_ = 	snop  }
__scs_overlays_trampoline_lowered:
0x8: {  	[smem:$0x3FAF] =	sst s0  }
0x9: {  	[smem:$0x3FB0] =	sst s1  }
0xa: {  	[smem:$0x3FB1] =	sst s2  }
0xb: {  	[smem:$0x3FB2] =	sst s3  }
0xc: {  	[smem:$0x3FB3] =	sst s4  }
0xd: {  	[smem:$0x3FB4] =	sst s5  }
0xe: {  	[smem:$0x3FB5] =	sst s6  }
0xf: {  	[smem:$0x3FB6] =	sst s7  }
0x10: {  	[smem:$0x3FB7] =	sst s8  }
0x11: {  	[smem:$0x3FB8] =	sst s9;
	s0 =	simm.s32 @!p0 $0x0  }
0x12: {  	s1 =	sld [smem:$0x3F9E];
	s0 =	simm.s32 @p0 $0x1  }
0x13: {  	[smem:$0x3FB9] =	sst s0;
	s0 =	simm.s32 @!p1 $0x0  }
0x14: {  	s2 =	sld [smem:$0x3F9D];
	s0 =	simm.s32 @p1 $0x1  }
0x15: {  	[smem:$0x3FBA] =	sst s0;
	s0 =	simm.s32 @!p2 $0x0  }
0x16: {  	s3 =	sld [smem:$0x3FDB];
	s0 =	simm.s32 @p2 $0x1  }
0x17: {  	s4 =	simm.s32 $0x1BF5;
	[smem:$0x3FBC] =	sst s0  }
0x18: {  	s0 =	sld [smem:$0x3F9F];
	_ =	swait.ge [sflag:s4], $0x0  }
0x19: {  	s7 =	sld [smem:$0x3FA0]  }
0x1a: {  	s8 =	sadd.s32 $0xFFFFE003, lr  }
0x1b: {  	s9 =	sadd.s32 $0xFFFFFEF7, lr;
	s5 =	simm.s32 $0xFFFFFFFF;
	p2 =	slt.u32 s8, $0xFFFFF086  }
0x1c: {  	p1 =	slt.u32 s9, $0xF7A;
	s5 =	simm.s32 @!p2 $0x0  }
0x1d: {  	s5 =	simm.s32 @p1 $0x1;
	p0 =	seq.s32 s7, s2  }
0x1e: {  	s7 =	smul.u32 @!p0 $0xF7A, s2;
	p2 =	seq.s32 @!p0 s5, $0x0  }
0x1f: {  	s9 =	smul.u32 $0xF7A, s1;
	s8 =	simm.s32 @!p0 $0x1BF5;
	p2 =	por !p2, p0  }
0x20: {  	[sflag:s8] =	ssyncset.s32 @!p0 $0xFFFFF086;
	s6 =	sadd.s32 @!p0 s3, s7;
	s7 =	simm.s32 @!p0 $0x108  }
0x21: {  	s3 =	sadd.s32 s3, s9;
	s6 =	sadd.s32 @!p0 $0x88, s6;
	s7 =	simm.s32 @p2 $0x1082  }
0x22: {  	[simem:s7], [sflag:s8] =	dma.local @!p0 [hbm:s6], $0xF7A  }
0x23: {  	s9 =	sor.u32 $0xD0000000, s2;
	s6 =	simm.s32 $0x108;
	_ =	swait.ge @!p0 [sflag:s8], $0x0  }
0x24: {  	s3 =	sadd.s32 $0x88, s3;
	s6 =	simm.s32 @!p1 $0x1082;
	[sflag:s4] =	ssyncset.s32 $0xFFFFF086  }
0x25: {  	[simem:s6], [sflag:s4] =	dma.local [hbm:s3], $0xF7A  }
0x26: {  	[smem:$0x3FA0] =	sst s1;
	(tag) =	ssettag s2;
	_ =	strace s9  }
0x27: {  	s1 =	sld [smem:$0x3FB0]  }
0x28: {  	s2 =	sld [smem:$0x3FB1]  }
0x29: {  	s4 =	sld [smem:$0x3FB3]  }
0x2a: {  	p0 =	seq.s32 s5, $0x0;
	s5 =	sld [smem:$0x3FB4]  }
0x2b: {  	s6 =	sld [smem:$0x3FB5]  }
0x2c: {  	s7 =	sld [smem:$0x3FB6]  }
0x2d: {  	s3 =	simm.s32 $0x108;
	s8 =	sld [smem:$0x3FB7]  }
0x2e: {  	s3 =	simm.s32 @!p0 $0x1082;
	s9 =	sld [smem:$0x3FB8]  }
0x2f: {  	lr =	sadd.s32 s0, s3;
	s0 =	sld [smem:$0x3FAF]  }
0x30: {  	s3 =	sld [smem:$0x3FB2]  }
0x31: {  	[smem:$0x3FBB] =	sst s10  }
0x32: {  	s10 =	sld [smem:$0x3FB9];
	_ =	sdelay $0x3  }
0x33: {  	p0 =	seq.s32 s10, $0x1;
	s10 =	sld [smem:$0x3FBB];
	_ =	sdelay $0x3  }
0x34: {  	[smem:$0x3FBB] =	sst s10  }
0x35: {  	s10 =	sld [smem:$0x3FBA];
	_ =	sdelay $0x3  }
0x36: {  	p1 =	seq.s32 s10, $0x1;
	s10 =	sld [smem:$0x3FBB];
	_ =	sdelay $0x3  }
0x37: {  	[smem:$0x3FBB] =	sst s10  }
0x38: {  	s10 =	sld [smem:$0x3FBC]  }
0x39: {  	_ = 	snop;
	(pc) =	sbr.ind lr, $3  }
0x3a: {  	_ = 	snop  }
0x3b: {  	_ = 	snop  }
0x3c: {  	p2 =	seq.s32 s10, $0x1;
	s10 =	sld [smem:$0x3FBB]  }
0x3d: {  	_ =	shalt  }
0x3e: {  	_ =	shalt  }
0x3f: {  	_ =	shalt  }
0x40: {  	_ =	shalt  }
0x41: {  	_ =	shalt  }
0x42: {  	_ =	shalt  }
0x43: {  	_ =	shalt  }
0x44: {  	_ =	shalt  }
0x45: {  	_ =	shalt  }
0x46: {  	_ =	shalt  }
0x47: {  	_ =	shalt  }
0x48: {  	_ =	shalt  }
0x49: {  	_ =	shalt  }
0x4a: {  	_ =	shalt  }
0x4b: {  	_ =	shalt  }
0x4c: {  	_ =	shalt  }
0x4d: {  	_ =	shalt  }
0x4e: {  	_ =	shalt  }
0x4f: {  	_ =	shalt  }
0x50: {  	_ =	shalt  }
0x51: {  	_ =	shalt  }
0x52: {  	_ =	shalt  }
0x53: {  	_ =	shalt  }
0x54: {  	_ =	shalt  }
0x55: {  	_ =	shalt  }
0x56: {  	_ =	shalt  }
0x57: {  	_ =	shalt  }
0x58: {  	_ =	shalt  }
0x59: {  	_ =	shalt  }
0x5a: {  	_ =	shalt  }
0x5b: {  	_ =	shalt  }
0x5c: {  	_ =	shalt  }
0x5d: {  	_ =	shalt  }
0x5e: {  	_ =	shalt  }
0x5f: {  	_ =	shalt  }
0x60: {  	_ =	shalt  }
0x61: {  	_ =	shalt  }
0x62: {  	_ =	shalt  }
0x63: {  	_ =	shalt  }
0x64: {  	_ =	shalt  }
0x65: {  	_ =	shalt  }
0x66: {  	_ =	shalt  }
0x67: {  	_ =	shalt  }
0x68: {  	_ =	shalt  }
0x69: {  	_ =	shalt  }
0x6a: {  	_ =	shalt  }
0x6b: {  	_ =	shalt  }
0x6c: {  	_ =	shalt  }
0x6d: {  	_ =	shalt  }
0x6e: {  	_ =	shalt  }
0x6f: {  	_ =	shalt  }
0x70: {  	_ =	shalt  }
0x71: {  	_ =	shalt  }
0x72: {  	_ =	shalt  }
0x73: {  	_ =	shalt  }
0x74: {  	_ =	shalt  }
0x75: {  	_ =	shalt  }
0x76: {  	_ =	shalt  }
0x77: {  	_ =	shalt  }
0x78: {  	_ =	shalt  }
0x79: {  	_ =	shalt  }
0x7a: {  	_ =	shalt  }
0x7b: {  	_ =	shalt  }
0x7c: {  	_ =	shalt  }
0x7d: {  	_ =	shalt  }
0x7e: {  	_ =	shalt  }
0x7f: {  	_ =	shalt  }
0x80: {  	_ =	shalt  }
0x81: {  	_ =	shalt  }
0x82: {  	_ =	shalt  }
0x83: {  	_ =	shalt  }
0x84: {  	_ =	shalt  }
0x85: {  	_ =	shalt  }
0x86: {  	_ =	shalt  }
0x87: {  	_ =	shalt  }
.Lfunc_end0:
.L_simem_size_0:
called_computation_lowered:
.L_overlay_start_0:
0x88: {  	s2 =	sld [smem:$0x3FD9]  }
0x89: {  	s3 =	sld [smem:$0x3FFE];
	_ =	sdelay $0x1  }
0x8a: {  	s1 =	srdreg.scid  }
0x8b: {  	s0 =	sand.u32 $0x1, s1  }
0x8c: {  	s18 =	sshll.u32 s0, $0xA;
	s2 =	sadd.s32 s3, s2  }
0x8d: {  	s2 =	sadd.s32 s2, s18  }
0x8e: {  	[smem:$0x3FC7] =	sst s2  }
0x8f: {  	_ = 	snop  }
0x90: {  	s2 =	sld [smem:$0x3FC9]  }
0x91: {  	s19 =	sld [smem:$0x3FD0];
	(tm) =	ssettm $0x1  }
0x92: {  	s4 =	sld [smem:$0x3FFB];
	_ =	sdelay $0x3  }
0x93: {  	_ =	strace s4  }
0x94: {  	s4 =	sld [smem:$0x3FFC];
	_ =	sdelay $0x3  }
0x95: {  	_ =	strace s4  }
0x96: {  	s4 =	sld [smem:$0x3FFD];
	_ =	sdelay $0x3  }
0x97: {  	_ =	strace s4  }
0x98: {  	_ =	strace $0x8FFFFFFF  }
0x99: {  	s20 =	sld [smem:$0x3FDB];
	_ =	sdelay $0x1  }
0x9a: {  	s5 =	simm.s32 $_scs_section_size  }
0x9b: {  	s6 =	simm.s32 $_size__tile_overlayer_lowered;
	s7 =	simm.s32 $_tile_overlayer_lowered  }
0x9c: {  	s23 =	simm.s32 $0x1BFF;
	s22 =	sshll.u32 s7, $0x1;
	s4 =	sadd.s32 s5, s20  }
0x9d: {  	s8 =	simm.s32 $0x0;
	s21 =	sshll.u32 s6, $0x1;
	s6 =	sadd.s32 s22, s4  }
0x9e: {  	[timem:s8], [sflag:s23] =	dma.local [hbm:s6], s21  }
0x9f: {  	_ =	swait.ge [sflag:s23], s21  }
0xa0: {  	s5 =	ssub.s32 $0x0, s21;
	[sflag:s23] =	ssyncset.done $0x0  }
0xa1: {  	[sflag:s23] =	ssyncadd.s32 s5;
	_ =	sdelay $0x1  }
0xa2: {  	s24 =	simm.s32 $0x1B8B  }
0xa3: {  	_ =	swait.ge [sflag:s24], $0x1  }
0xa4: {  	[sflag:s24] =	ssyncset.done $0x0  }
0xa5: {  	s25 =	simm.s32 $0x1B8E;
	[sflag:s24] =	ssyncadd.s32 $0xFFFFFFFF  }
0xa6: {  	s26 =	simm.s32 $execute0_lowered;
	[smem:$0x3FD2] =	sst s25  }
0xa7: {  	s5 =	sshll.u32 s26, $0x1;
	_ =	strace $0x80000046;
	[dreg:$0x1] =	wrdreg $0xFFFFFFFF  }
0xa8: {  	s28 =	simm.s32 $_size_execute0_lowered;
	s4 =	sadd.s32 s4, s5;
	[dreg:$0x0] =	wrdreg $0x0  }
0xa9: {  	s5 =	sshll.u32 s28, $0x1;
	[dreg:$0x2] =	wrdreg s4  }
0xaa: {  	[dreg:$0x3] =	wrdreg s5  }
0xab: {  	[dreg:$0x4] =	wrdreg $0xC0  }
0xac: {  	_ =	task [dreg:s8], $0x5FFFF  }
0xad: {  	[dreg:$0x1] =	wrdreg $0xFFFFFFFF  }
0xae: {  	[dreg:$0x0] =	wrdreg $0x60  }
0xaf: {  	[dreg:$0x2] =	wrdreg s2  }
0xb0: {  	[dreg:$0x3] =	wrdreg s19  }
0xb1: {  	[dreg:$0x4] =	wrdreg $0x9  }
0xb2: {  	_ =	task.clear_ibuf [dreg:s8], $0x5FFFF;
	_ =	strace $0x90000046  }
0xb3: {  	s29 =	simm.s32 $0x9;
	_ =	strace $0x80000048  }
0xb4: {  	_ =	swait.ge [sflag:s29], $0x1  }
0xb5: {  	[sflag:s29] =	ssyncadd.s32 $0xFFFFFFFF  }
0xb6: {  	_ =	strace $0x90000048  }
0xb7: {  	_ =	sfence  }
0xb8: {  	s30 =	sld [smem:$0x0];
	_ =	sdelay $0x2  }
0xb9: {  	s31 =	sshll.u32 s1, $0xD;
	s1 =	sshrl.u32 s1, $0x2  }
0xba: {  	s3 =	sand.u32 $0x4000, s31;
	s1 =	sadd.s32 s1, s30  }
0xbb: {  	s0 =	sor.u32 s3, s0;
	s1 =	sshll.u32 s1, $0x11  }
0xbc: {  	s0 =	sor.u32 s1, s0  }
0xbd: {  	s0 =	sadd.s32 $0x8F2B, s0  }
0xbe: {  	[sflag:s0] =	ssyncadd.remote.s32 $0x1  }
0xbf: {  	_ =	sfence.sel $0xFFFF  }
0xc0: {  	[dreg:$0x0] =	wrdreg $0xFFFFFFFF;
	(pc) =	sbr.abs _section_cstart, $3  }
0xc1: {  	[dreg:$0x1] =	wrdreg $0xFFFFFFFF  }
0xc2: {  	_ =	task.clear_ibuf [dreg:s8], $0x2FFFF;
	_ =	strace $0x9FFFFFFF  }
0xc3: {  	(tm) =	ssettm $0x7FFFFFFF  }
tec
execute0_lowered:
.L_overlay_start_1:
0x0: {  	(tag) =	ssettag $0x1  }
0x1: {  	s1 =	stileid.u32  }
0x2: {  	p0 =	sgt.u32 s1, $0x7  }
.Ltmp0:
0x3: {  	_ = 	snop;
	(pc) =	sbr.rel @p0 .LBB2_9-.Ltmp0, $4  }
0x4: {  	s8 =	rddreg [dreg:$0x0]  }
0x5: {  	s2 =	rddreg [dreg:$0x1];
	s3 =	simm.s32 $0x0  }
0x6: {  	[smem:$0x7FF] =	sst s3  }
0x7: {  	s0 =	rddreg [dreg:$0x2];
	_ =	strace $0x80000047  }
0x8: {  	s4 =	srdreg.scid;
	s31 =	sshll.u32 s1, $0x8;
	s7 =	sshrl.u32 s1, $0x2  }
0x9: {  	s12 =	simm.s32 $0x2;
	s13 =	simm.s32 $0x4080;
	s5 =	sand.u32 $0x1, s4  }
0xa: {  	s14 =	simm.s32 $0x8100;
	s4 =	sand.u32 $0x300, s31;
	s6 =	sshll.u32 s5, $0x7  }
0xb: {  	s9 =	sshll.u32 s7, $0x11;
	s10 =	ssub.s32 $0x2, s5;
	s4 =	sor.u32 s6, s4  }
0xc: {  	s7 =	sshll.u32 s7, $0xE;
	s11 =	sshrl.u32 s10, $0x1;
	s6 =	sor.u32 s9, s4  }
0xd: {  	s10 =	ssub.s32 s10, s11;
	s11 =	simm.s32 $0x400;
	s9 =	sshrl.u32 s6, $0x3  }
0xe: {  	s6 =	sadd.s32 s9, s8;
	s8 =	sadd.s32 s8, s9;
	s9 =	smax.u32 s10, $0x1  }
0xf: {  	v0 =	vimm.f32 $+Inf;
	v1 =	vlaneseq.u32;
	s10 =	simm.s32 $0x80;
	s5 =	sadd.s32 $0x8000, s6;
	s6 =	sadd.s32 $0x10000, s6  }
.LBB2_2:
0x10: {  	s15 =	simm.s32 $0x0  }
0x11: {  	[tilespmem:s15], [sflag:$0x2] =	stream.strided.gather [hbm4b:s8+s10], $0x4000, s11, s10, $0x38;
	[tilespmem:$0x10200] =	vst v63  }
0x12: {  	_ =	swait.ge [sflag:s12], $0x4000  }
0x13: {  	[sflag:s12] =	ssyncset.done $0x0  }
0x14: {  	[sflag:s12] =	ssyncadd.s32 $0xFFFFC000  }
0x15: {  	[tilespmem:s13], [sflag:$0x2] =	stream.strided.gather [hbm4b:s5+s10], $0x4000, s11, s10, $0x38;
	[tilespmem:$0x10200] =	vst v63  }
0x16: {  	_ =	swait.ge [sflag:s12], $0x4000  }
0x17: {  	[sflag:s12] =	ssyncset.done $0x0  }
0x18: {  	[sflag:s12] =	ssyncadd.s32 $0xFFFFC000  }
0x19: {  	[tilespmem:s14], [sflag:$0x2] =	stream.strided.gather [hbm4b:s6+s10], $0x4000, s11, s10, $0x38;
	[tilespmem:$0x10200] =	vst v63  }
0x1a: {  	_ =	swait.ge [sflag:s12], $0x4000  }
0x1b: {  	[sflag:s12] =	ssyncset.done $0x0  }
0x1c: {  	s16 =	simm.s32 $0x0;
	s15 =	simm.s32 $0x40;
	[sflag:s12] =	ssyncadd.s32 $0xFFFFC000  }
.LBB2_3:
0x1d: {  	p0 =	sne.s32 s15, $0xFFC0;
	[tilespmem:s16+$0xC180] =	vst v0;
	s16 =	smov.u32 s15;
	s15 =	sadd.s32 $0x40, s15  }
.Ltmp1:
0x1e: {  	(pc) =	sbr.rel @p0 .LBB2_3-.Ltmp1, $2  }
0x1f: {  	_ =	sdelay $0x2  }
0x20: {  	s16 =	sshra.s32 s16, $0x2  }
0x21: {  	[tilespmem:s16+$0xC180] =	vst v0  }
0x22: {  	v2 =	vld [tilespmem:$0x0]  }
0x23: {  	v3 =	vld [tilespmem:$0x4080]  }
0x24: {  	v4 =	vld [tilespmem:$0x8100];
	_ =	sdelay $0x2  }
0x25: {  	(v2sf) =	vpush v2, $0x0  }
0x26: {  	(v2sf) =	vpush v3, $0x0  }
0x27: {  	(v2sf) =	vpush v4, $0x0;
	_ =	sdelay $0xc  }
0x28: {  	s18 =	spop (v2sf)  }
0x29: {  	s19 =	spop (v2sf)  }
0x2a: {  	s15 =	simm.s32 $0x0;
	s16 =	simm.s32 $0x0;
	v2 =	vimm.s32 $0x0;
	v3 =	vimm.s32 $0x0;
	s20 =	spop (v2sf)  }
.LBB2_5:
0x2b: {  	s17 =	simm.s32 $0x4080;
	v6 =	vld [tilespmem:s15+$0x0]  }
0x2c: {  	v7 =	vld [tilespmem:s17+$0x0]  }
0x2d: {  	s17 =	simm.s32 $0x8100  }
0x2e: {  	v8 =	vld [tilespmem:s17+$0x0];
	_ =	sdelay $0x1  }
0x2f: {  	v4 =	vmov s18;
	v5 =	vmov s19  }
0x30: {  	v9 =	vsub.f32 v6, v4;
	v7 =	vsub.f32 v7, v5  }
0x31: {  	v6 =	vmov s20  }
0x32: {  	s18 =	simm.s32 $0xC180;
	v8 =	vsub.f32 v8, v6;
	v9 =	vmul.f32 v9, v9;
	v7 =	vmul.f32 v7, v7  }
0x33: {  	v10 =	vld [tilespmem:s18+$0x0]  }
0x34: {  	v8 =	vmul.f32 v8, v8;
	v7 =	vadd.f32 v7, v9;
	_ =	sdelay $0x1  }
0x35: {  	v7 =	vadd.f32 v8, v7;
	_ =	sdelay $0x1  }
0x36: {  	v8 =	vimm.f32 $-Inf;
	v7 =	vmin.f32 v10, v7  }
0x37: {  	s19 =	simm.s32 $0x10;
	v10 =	vor.u32 s15, v1;
	[tilespmem:s18+$0x0] =	vst v7;
	vm0 =	vgt.f32 v7, v8  }
0x38: {  	s21 =	simm.s32 $0x4090;
	s22 =	simm.s32 $0x10;
	s20 =	simm.s32 $0x20;
	v9 =	vld [tilespmem:s19+$0x0];
	v8 =	vsel vm0, v7, v8;
	v7 =	vsel vm0, v10, v2  }
.LBB2_6:
0x39: {  	p0 =	sne.s32 s20, $0x3FF0;
	v10 =	vld [tilespmem:s21+$0x0]  }
0x3a: {  	s17 =	sadd.s32 $0x10, s17  }
0x3b: {  	v11 =	vld [tilespmem:s17+$0x0];
	_ =	sdelay $0x2  }
0x3c: {  	v9 =	vsub.f32 v9, v4;
	v10 =	vsub.f32 v10, v5;
	_ =	sdelay $0x1  }
0x3d: {  	s18 =	sadd.s32 $0x10, s18;
	v9 =	vmul.f32 v9, v9;
	v11 =	vsub.f32 v11, v6;
	v10 =	vmul.f32 v10, v10  }
0x3e: {  	v12 =	vld [tilespmem:s18+$0x0]  }
0x3f: {  	v9 =	vadd.f32 v10, v9;
	v10 =	vmul.f32 v11, v11;
	_ =	sdelay $0x1  }
.Ltmp2:
0x40: {  	v9 =	vadd.f32 v10, v9;
	(pc) =	sbr.rel @p0 .LBB2_6-.Ltmp2, $4  }
0x41: {  	_ = 	snop  }
0x42: {  	v10 =	vmin.f32 v12, v9  }
0x43: {  	s22 =	sadd.s32 $0x10, s22;
	v11 =	vor.u32 s19, v1;
	s19 =	smov.u32 s20;
	[tilespmem:s18+$0x0] =	vst v10;
	vm0 =	vgt.f32 v10, v8  }
0x44: {  	s21 =	sadd.s32 $0x10, s21;
	s20 =	sadd.s32 $0x10, s20;
	v9 =	vld [tilespmem:s22+$0x0];
	v8 =	vsel vm0, v10, v8;
	v7 =	vsel vm0, v11, v7  }
0x45: {  	v10 =	vld [tilespmem:s21+$0x0]  }
0x46: {  	s17 =	sadd.s32 $0x10, s17  }
0x47: {  	v11 =	vld [tilespmem:s17+$0x0];
	_ =	sdelay $0x2  }
0x48: {  	v4 =	vsub.f32 v9, v4;
	v5 =	vsub.f32 v10, v5;
	_ =	sdelay $0x1  }
0x49: {  	s25 =	sadd.s32 $0x10, s18;
	v6 =	vsub.f32 v11, v6;
	v4 =	vmul.f32 v4, v4;
	v5 =	vmul.f32 v5, v5  }
0x4a: {  	v59 =	vld [tilespmem:s25+$0x0]  }
0x4b: {  	v4 =	vadd.f32 v5, v4;
	v5 =	vmul.f32 v6, v6;
	_ =	sdelay $0x1  }
0x4c: {  	v4 =	vadd.f32 v5, v4;
	_ =	sdelay $0x1  }
0x4d: {  	v4 =	vmin.f32 v59, v4  }
0x4e: {  	vm0 =	vgt.f32 v4, v8  }
0x4f: {  	v5 =	vsel vm0, v4, v8  }
0x50: {  	(xrf0) =	vmax.scan.msk.f32 $0xffff, v5;
	_ =	sdelay $0x5  }
0x51: {  	v60, _, _ =	vpop (xrf0)  }
0x52: {  	v61 =	vor.u32 s19, v1;
	v6 =	vbroadcast v60, $0xF  }
0x53: {  	v7 =	vsel vm0, v61, v7  }
0x54: {  	vm13 =	veq.f32 v5, v6;
	v5 =	vxor.u32 $0x80000000, v7  }
0x55: {  	v5 =	vnsel vm13, $0x80004000, v5  }
0x56: {  	(xrf0) =	vmin.scan.msk.u32 $0xffff, v5;
	_ =	sdelay $0x5  }
0x57: {  	v5, _, _ =	vpop (xrf0)  }
0x58: {  	(v2sf) =	vpush v5, $0xF;
	_ =	sdelay $0xe  }
0x59: {  	s26 =	spop (v2sf)  }
0x5a: {  	s20 =	sxor.u32 $0x80000000, s26  }
0x5b: {  	p1 =	sgt.s32 s26, $0xFFFFFFFF;
	s18 =	sand.u32 $0xF, s26;
	p0 =	slt.s32 s20, $0x1  }
0x5c: {  	s28 =	sshra.s32 s20, $0x1F;
	p6 =	sne.s32 s18, $0x0;
	p0 =	por p1, p0  }
0x5d: {  	s29 =	sshrl.u32 s28, $0x1C;
	p0 =	por !p6, !p0  }
0x5e: {  	s19 =	simm.s32 $0x1;
	s18 =	sadd.s32 s29, s20;
	p0 =	por !p0, !p0  }
0x5f: {  	s18 =	sshrl.u32 s18, $0x4;
	s19 =	simm.s32 @!p0 $0x0  }
0x60: {  	s18 =	ssub.s32 s18, s19  }
0x61: {  	[tilespmem:s25+$0x0] =	vst v4;
	s30 =	sshll.u32 s18, $0x4  }
0x62: {  	v4 =	vld [tilespmem:s30+$0x0]  }
0x63: {  	v5 =	vld [tilespmem:s30+$0x4080]  }
0x64: {  	s18 =	ssub.s32 s20, s30;
	v63 =	vld [tilespmem:s30+$0x8100]  }
0x65: {  	v62 =	vmov s18  }
0x66: {  	vm14 =	veq.s32 v62, v1  }
0x67: {  	v4 =	vnsel vm14, $0x7F800000, v4  }
0x68: {  	(xrf0) =	vmin.scan.msk.f32 $0xffff, v4;
	v4 =	vnsel vm14, $0x7F800000, v5  }
0x69: {  	(xrf0) =	vmin.scan.msk.f32 $0xffff, v4;
	v4 =	vnsel vm14, $0x7F800000, v63  }
0x6a: {  	(xrf0) =	vmin.scan.msk.f32 $0xffff, v4;
	_ =	sdelay $0x3  }
0x6b: {  	v4, _, _ =	vpop (xrf0)  }
0x6c: {  	v5, _, _ =	vpop (xrf0);
	(v2sf) =	vpush v4, $0xF  }
0x6d: {  	(v2sf) =	vpush v5, $0xF;
	v4, _, _ =	vpop (xrf0)  }
0x6e: {  	(v2sf) =	vpush v4, $0xF;
	_ =	sdelay $0x1  }
0x6f: {  	s16 =	sadd.s32 $0x1, s16  }
0x70: {  	s31 =	sand.u32 $0xF, s16  }
0x71: {  	p0 =	sne.s32 s31, $0xF  }
0x72: {  	s18 =	sshll.u32 @!p0 s16, $0x3  }
0x73: {  	s18 =	sand.u32 @!p0 $0x7C00, s18  }
0x74: {  	s19 =	sand.u32 @!p0 $0x70, s16;
	s18 =	sadd.s32 @!p0 s7, s18  }
0x75: {  	s17 =	sor.u32 @!p0 s19, s18;
	v4 =	vmov s31  }
0x76: {  	s17 =	sor.u32 @!p0 s4, s17;
	vm15 =	veq.s32 v4, v1  }
0x77: {  	s17 =	sshrl.u32 @!p0 s17, $0x3;
	v3 =	vsel vm15, s20, v3  }
0x78: {  	s21 =	simm.s32 @!p0 $0x10180;
	s17 =	sadd.s32 @!p0 s2, s17;
	s20 =	simm.s32 @!p0 $0x0;
	[tilespmem:$0x10180] =	vst @!p0 v3  }
0x79: {  	[hbm4b:s17+s20] =	stream.linear.scatter @!p0 [tilespmem:s21], [sflag:$0x1], $0x10, $0x38;
	[tilespmem:$0x10200] =	vst v63  }
0x7a: {  	p1 =	sne.s32 s16, $0x7FF;
	s18 =	spop (v2sf)  }
.Ltmp3:
0x7b: {  	s19 =	spop (v2sf);
	(pc) =	sbr.rel @p1 .LBB2_5-.Ltmp3, $4  }
0x7c: {  	s17 =	simm.s32 @!p0 $0x1;
	s20 =	spop (v2sf)  }
0x7d: {  	_ =	swait.ge @!p0 [sflag:s17], $0x10  }
0x7e: {  	[sflag:s17] =	ssyncset.done @!p0 $0x0  }
0x7f: {  	[sflag:s17] =	ssyncadd.s32 @!p0 $0xFFFFFFF0  }
0x80: {  	s3 =	sadd.s32 $0x1, s3  }
0x81: {  	p0 =	sne.s32 s3, s9  }
.Ltmp4:
0x82: {  	_ = 	snop;
	(pc) =	sbr.rel @p0 .LBB2_2-.Ltmp4, $1  }
0x83: {  	_ =	sdelay $0x3  }
.LBB2_9:
0x84: {  	_ =	sfence.sel $0x180000  }
0x85: {  	[bflag:$0x0] =	sbarrier.arrive $0xFFFF  }
0x86: {  	p0 =	sne.s32 s1, $0x0;
	_ =	strace $0x90000047  }
0x87: {  	s0 =	sadd.s32 @!p0 $0x100000, s0;
	[bflag:$0x2] =	sbarrier.arrive $0xFFFF  }
0x88: {  	[sflag:s0] =	ssyncadd.tile.s32 @!p0 $0x1;
	_ =	shalt  }
.Lfunc_end2:
_tile_overlayer_lowered:
.L_overlay_start_2:
0x89: {  	(tag) =	ssettag $0x2  }
0x8a: {  	s0 =	rddreg [dreg:$0x0];
	s2 =	stileid.u32  }
0x8b: {  	s1 =	rddreg [dreg:$0x1];
	p0 =	sne.s32 s2, $0x0  }
0x8c: {  	s3 =	rddreg [dreg:$0x2];
	[bflag:$0x3] =	sbarrier.arrive $0xFFFF;
	s2 =	simm.s32 @!p0 $0x1C02  }
0x8d: {  	[timem:s3], [sflag:s2] =	dma.local @!p0 [hbm:s0], s1  }
0x8e: {  	s0 =	simm.s32 @!p0 $0x2  }
0x8f: {  	_ =	swait.ge @!p0 [sflag:s0], s1  }
0x90: {  	s1 =	ssub.s32 @!p0 $0x0, s1;
	[sflag:s0] =	ssyncset.done @!p0 $0x0  }
0x91: {  	[sflag:s0] =	ssyncadd.s32 @!p0 s1  }
0x92: {  	[bflag:$0x3] =	sbarrier.arrive $0xFFFF  }
0x93: {  	_ =	shalt  }

</sc_bundles>
